<compile_context>
chip_gen: v7x
topology: tpu7x:2x2x1
jax: 0.10.2.dev20260603
libtpu: 0.0.44.dev20260713+nightly
codegen_flags: <defaults>
</compile_context>

<pallas_src>
import functools

import jax
import jax.numpy as jnp
from jax import lax
from jax.experimental import pallas as pl
from jax.experimental.pallas import tpu as pltpu
from jax.experimental.pallas import tpu_sc as plsc

_D = 4096
_NC = 2
_NS = 16
_NW = _NC * _NS
_LANES = 16


def _edge_scatter_partials(x1d, src, dst, w):
    E = src.shape[0]
    epw = E // _NW
    mesh = plsc.VectorSubcoreMesh(core_axis_name="c", subcore_axis_name="s")

    @functools.partial(
        pl.kernel,
        mesh=mesh,
        out_type=jax.ShapeDtypeStruct((_NW, _D), jnp.float32),
        compiler_params=pltpu.CompilerParams(needs_layout_passes=False),
        scratch_types=[
            pltpu.VMEM((_D,), jnp.float32),
            pltpu.VMEM((_D,), jnp.float32),
            pltpu.VMEM((epw,), jnp.int32),
            pltpu.VMEM((epw,), jnp.int32),
            pltpu.VMEM((epw,), jnp.float32),
        ],
    )
    def k(x_hbm, src_hbm, dst_hbm, w_hbm, out_hbm, x_v, acc_v, src_v, dst_v, w_v):
        wid = lax.axis_index("s") * _NC + lax.axis_index("c")
        base = wid * epw
        pltpu.sync_copy(x_hbm, x_v)
        pltpu.sync_copy(src_hbm.at[pl.ds(base, epw)], src_v)
        pltpu.sync_copy(dst_hbm.at[pl.ds(base, epw)], dst_v)
        pltpu.sync_copy(w_hbm.at[pl.ds(base, epw)], w_v)

        def zero_body(i, carry):
            acc_v[pl.ds(i * _LANES, _LANES)] = jnp.zeros((_LANES,), jnp.float32)
            return carry

        lax.fori_loop(0, _D // _LANES, zero_body, 0)

        def edge_body(g, carry):
            o = g * _LANES
            idx = src_v[pl.ds(o, _LANES)]
            dd = dst_v[pl.ds(o, _LANES)]
            wt = w_v[pl.ds(o, _LANES)]
            vals = plsc.load_gather(x_v, [idx])
            plsc.addupdate_scatter(acc_v, [dd], vals * wt)
            return carry

        lax.fori_loop(0, epw // _LANES, edge_body, 0)
        pltpu.sync_copy(acc_v, out_hbm.at[wid])

    return k(x1d, src, dst, w)


def _matvec_rows(W, xrow, tile=256):
    N, K = W.shape

    def body(w_ref, x_ref, o_ref):
        o_ref[0, :] = jnp.sum(w_ref[...] * x_ref[0, :][None, :], axis=1)

    return pl.pallas_call(
        body,
        grid=(N // tile,),
        in_specs=[
            pl.BlockSpec((tile, K), lambda i: (i, 0)),
            pl.BlockSpec((1, K), lambda i: (0, 0)),
        ],
        out_specs=pl.BlockSpec((1, tile), lambda i: (0, i)),
        out_shape=jax.ShapeDtypeStruct((1, N), jnp.float32),
    )(W, xrow)


def _vecmat(qrow, W, tile=256):
    K, N = W.shape

    def body(q_ref, w_ref, o_ref):
        i = pl.program_id(0)

        @pl.when(i == 0)
        def _():
            o_ref[...] = jnp.zeros_like(o_ref)

        o_ref[0, :] += jnp.sum(w_ref[...] * q_ref[0, :][:, None], axis=0)

    return pl.pallas_call(
        body,
        grid=(K // tile,),
        in_specs=[
            pl.BlockSpec((1, tile), lambda i: (0, i)),
            pl.BlockSpec((tile, N), lambda i: (i, 0)),
        ],
        out_specs=pl.BlockSpec((1, N), lambda i: (0, 0)),
        out_shape=jax.ShapeDtypeStruct((1, N), jnp.float32),
    )(qrow, W)


def _flash_over_buf(buf, kqrow, scale, tile=256):
    Bn, Dn = buf.shape

    def body(buf_ref, kq_ref, nb_ref, c_ref, stat_ref, acc_ref):
        i = pl.program_id(0)
        b = buf_ref[...]
        nb_ref[...] = b
        s = jnp.sum(b * kq_ref[0, :][None, :], axis=1) * scale

        @pl.when(i == 0)
        def _():
            stat_ref[0, 0] = -jnp.inf
            stat_ref[0, 1] = 0.0
            acc_ref[...] = jnp.zeros_like(acc_ref)

        m_old = stat_ref[0, 0]
        l_old = stat_ref[0, 1]
        m_new = jnp.maximum(m_old, jnp.max(s))
        alpha = jnp.exp(m_old - m_new)
        e = jnp.exp(s - m_new)
        stat_ref[0, 0] = m_new
        stat_ref[0, 1] = l_old * alpha + jnp.sum(e)
        acc_ref[...] = acc_ref[...] * alpha + jnp.sum(e[:, None] * b, axis=0)[None, :]

        @pl.when(i == pl.num_programs(0) - 1)
        def _():
            c_ref[...] = acc_ref[...] / stat_ref[0, 1]

    return pl.pallas_call(
        body,
        grid=(Bn // tile,),
        in_specs=[
            pl.BlockSpec((tile, Dn), lambda i: (i, 0)),
            pl.BlockSpec((1, Dn), lambda i: (0, 0)),
        ],
        out_specs=[
            pl.BlockSpec((tile, Dn), lambda i: (i, 0)),
            pl.BlockSpec((1, Dn), lambda i: (0, 0)),
        ],
        out_shape=[
            jax.ShapeDtypeStruct((Bn, Dn), jnp.float32),
            jax.ShapeDtypeStruct((1, Dn), jnp.float32),
        ],
        scratch_shapes=[
            pltpu.SMEM((1, 2), jnp.float32),
            pltpu.VMEM((1, Dn), jnp.float32),
        ],
    )(buf, kqrow)


def _sparse_finish(partials, bias_row):
    def body(p_ref, b_ref, o_ref):
        s = jnp.sum(p_ref[...], axis=0) + b_ref[0, :]
        o_ref[0, :] = s * 0.5 * (1.0 + lax.erf(s * (2.0 ** -0.5)))

    return pl.pallas_call(
        body,
        grid=(1,),
        in_specs=[
            pl.BlockSpec((_NW, _D), lambda i: (0, 0)),
            pl.BlockSpec((1, _D), lambda i: (0, 0)),
        ],
        out_specs=pl.BlockSpec((1, _D), lambda i: (0, 0)),
        out_shape=jax.ShapeDtypeStruct((1, _D), jnp.float32),
    )(partials, bias_row)


def _gate_merge_norm(Wg, sp_row, rg_row, bg_row, x_row, gamma_row, beta_row, tile=256):
    Dn = sp_row.shape[1]

    def body(wg_ref, sp_ref, rg_ref, bg_ref, x_ref, gam_ref, bet_ref,
             o_ref, gated_ref):
        i = pl.program_id(0)
        z = (jnp.sum(wg_ref[:, :Dn] * sp_ref[0, :][None, :], axis=1)
             + jnp.sum(wg_ref[:, Dn:] * rg_ref[0, :][None, :], axis=1)
             + bg_ref[0, pl.ds(i * tile, tile)])
        g = jax.nn.sigmoid(z)
        sp_seg = sp_ref[0, pl.ds(i * tile, tile)]
        rg_seg = rg_ref[0, pl.ds(i * tile, tile)]
        gated_ref[0, pl.ds(i * tile, tile)] = g * sp_seg + (1.0 - g) * rg_seg

        @pl.when(i == pl.num_programs(0) - 1)
        def _():
            h = x_ref[0, :] + gated_ref[0, :]
            mu = jnp.mean(h)
            var = jnp.mean((h - mu) ** 2)
            o_ref[0, :] = ((h - mu) * lax.rsqrt(var + 1e-5) * gam_ref[0, :]
                           + bet_ref[0, :])

    return pl.pallas_call(
        body,
        grid=(Dn // tile,),
        in_specs=[
            pl.BlockSpec((tile, 2 * Dn), lambda i: (i, 0)),
            pl.BlockSpec((1, Dn), lambda i: (0, 0)),
            pl.BlockSpec((1, Dn), lambda i: (0, 0)),
            pl.BlockSpec((1, Dn), lambda i: (0, 0)),
            pl.BlockSpec((1, Dn), lambda i: (0, 0)),
            pl.BlockSpec((1, Dn), lambda i: (0, 0)),
            pl.BlockSpec((1, Dn), lambda i: (0, 0)),
        ],
        out_specs=pl.BlockSpec((1, Dn), lambda i: (0, 0)),
        out_shape=jax.ShapeDtypeStruct((1, Dn), jnp.float32),
        scratch_shapes=[pltpu.VMEM((1, Dn), jnp.float32)],
    )(Wg, sp_row, rg_row, bg_row, x_row, gamma_row, beta_row)


def kernel(x, buf, ptr, src, dst, edge_weights, bias, Wq, Wk, Wv, Wg, bg, gamma, beta):
    D = x.shape[0]
    Bn = buf.shape[0]
    x_row = x.reshape(1, D)

    partials = _edge_scatter_partials(x, src, dst, edge_weights)

    q_row = _matvec_rows(Wq, x_row)
    kq_row = _vecmat(q_row, Wk)

    nb_copy, chat_row = _flash_over_buf(buf, kq_row, D ** -0.5)

    ring_row = _matvec_rows(Wv, chat_row)

    sp_row = _sparse_finish(partials, bias.reshape(1, D))

    out_row = _gate_merge_norm(Wg, sp_row, ring_row, bg.reshape(1, D),
                               x_row, gamma.reshape(1, D), beta.reshape(1, D))

    out = out_row.reshape(D)
    r = (ptr % Bn).astype(jnp.int32)
    new_buf = lax.dynamic_update_slice(nb_copy, out_row, (r, 0))
    new_ptr = (ptr + 1) % Bn
    return out, new_buf, new_ptr

# --- scband reference (transcript-rebuilt; emitter-appended) ---
"""Pipeline reference for scband-processing-block-31525059952786 (READ-ONLY COPY).

The authoritative reference and input builder live on the scoring server;
editing this copy changes nothing except your own understanding.
"""

import jax, jax.numpy as jnp
import numpy as np

D = 4096
B = 4096
E = 1048576


def setup_inputs(seed: int = 0) -> dict:
    key = jax.random.key(seed)
    ks = jax.random.split(key, 12)
    x = jax.random.normal(ks[0], (D,), dtype=jnp.float32)
    buf = jax.random.normal(ks[1], (B, D), dtype=jnp.float32)
    ptr = 7
    src = jax.random.randint(ks[2], (E,), 0, D, dtype=jnp.int32)
    dst = jax.random.randint(ks[3], (E,), 0, D, dtype=jnp.int32)
    edge_weights = jax.random.normal(ks[4], (E,), dtype=jnp.float32) * (2.0 / D) ** 0.5
    bias = jnp.zeros((D,), dtype=jnp.float32)
    Wq = jax.random.normal(ks[5], (D, D), dtype=jnp.float32) * 0.02
    Wk = jax.random.normal(ks[6], (D, D), dtype=jnp.float32) * 0.02
    Wv = jax.random.normal(ks[7], (D, D), dtype=jnp.float32) * 0.02
    Wg = jax.random.normal(ks[8], (D, 2 * D), dtype=jnp.float32) * 0.02
    bg = jnp.zeros((D,), dtype=jnp.float32)
    gamma = jnp.ones((D,), dtype=jnp.float32)
    beta = jnp.zeros((D,), dtype=jnp.float32)
    return {"x": x, "buf": buf, "ptr": ptr, "src": src, "dst": dst,
            "edge_weights": edge_weights, "bias": bias,
            "Wq": Wq, "Wk": Wk, "Wv": Wv, "Wg": Wg, "bg": bg,
            "gamma": gamma, "beta": beta}


def reference(x, buf, ptr, src, dst, edge_weights, bias, Wq, Wk, Wv, Wg, bg, gamma, beta):
    # SelfWiringLayer: gather from src, weight per-edge, scatter-add to dst
    src_vals = jnp.take(x, src, axis=0)
    weighted = src_vals * edge_weights
    sparse = jnp.zeros((D,), dtype=x.dtype).at[dst].add(weighted) + bias
    sparse_out = jax.nn.gelu(sparse, approximate=False)
    # RingBuffer.read: single-query attention over the buffer
    q = Wq @ x                      # [D]
    k = buf @ Wk.T                  # [B, D]
    v = buf @ Wv.T                  # [B, D]
    attn = jax.nn.softmax((k @ q) * (D ** -0.5), axis=-1)  # [B]
    ring_out = attn @ v             # [D]
    # Gated merge
    merged = jnp.concatenate([sparse_out, ring_out], axis=-1)  # [2D]
    g = jax.nn.sigmoid(Wg @ merged + bg)
    gated = g * sparse_out + (1.0 - g) * ring_out
    # LayerNorm(x + gated)
    h = x + gated
    mu = jnp.mean(h)
    var = jnp.mean((h - mu) ** 2)
    out = (h - mu) / jnp.sqrt(var + 1e-5) * gamma + beta
    # RingBuffer.write (detached write)
    new_buf = buf.at[ptr % B].set(jax.lax.stop_gradient(out))
    new_ptr = (ptr + 1) % B
    return out, new_buf, new_ptr

if __name__ == "__main__":
    import jax
    _d = setup_inputs()
    print(jax.jit(kernel)(*tuple(_d.values())))

</pallas_src>

<mosaic_0001>
#map = affine_map<(d0, d1) -> (0)>
#map1 = affine_map<(d0, d1) -> (0, 0)>
module attributes {stable_mosaic.version = 14 : i64} {
  func.func @k(%arg0: i32, %arg1: i32, %arg2: memref<4096xf32, #tpu.memory_space<hbm>>, %arg3: memref<1048576xi32, #tpu.memory_space<hbm>>, %arg4: memref<1048576xi32, #tpu.memory_space<hbm>>, %arg5: memref<1048576xf32, #tpu.memory_space<hbm>>, %arg6: memref<32x4096xf32, #tpu.memory_space<hbm>>, %arg7: memref<4096xf32, #tpu.memory_space<vmem>>, %arg8: memref<4096xf32, #tpu.memory_space<vmem>>, %arg9: memref<32768xi32, #tpu.memory_space<vmem>>, %arg10: memref<32768xi32, #tpu.memory_space<vmem>>, %arg11: memref<32768xf32, #tpu.memory_space<vmem>>) attributes {dimension_semantics = [#tpu.dimension_semantics<core_parallel>, #tpu.dimension_semantics<subcore_parallel>], iteration_bounds = array<i64: 2, 16>, scalar_prefetch = 0 : i64, scratch_operands = 5 : i64, tpu.core_type = #tpu.core_type<sc_vector_subcore>, window_params = [{transform_indices = #map}, {transform_indices = #map}, {transform_indices = #map}, {transform_indices = #map}, {transform_indices = #map1}]} {
    %mul3A = arith.constant 2 : i32
    %mul3A_0 = arith.muli %arg1, %mul3A : i32
    %add3A = arith.addi %mul3A_0, %arg0 : i32
    %mul3A_1 = arith.constant 32768 : i32
    %mul3A_2 = arith.muli %add3A, %mul3A_1 : i32
    "tpu.region"() ({
      %run_scoped3A = tpu.sem_alloc : memref<!tpu.dma_semaphore, #tpu.memory_space<semaphore_mem>>
      tpu.enqueue_dma source(%arg2 : memref<4096xf32, #tpu.memory_space<hbm>>) target(%arg7 : memref<4096xf32, #tpu.memory_space<vmem>>) target_semaphore(%run_scoped3A : memref<!tpu.dma_semaphore, #tpu.memory_space<semaphore_mem>>)
      tpu.wait_dma2 semaphore(%run_scoped3A : memref<!tpu.dma_semaphore, #tpu.memory_space<semaphore_mem>>) src(%arg2 : memref<4096xf32, #tpu.memory_space<hbm>>) dst(%arg7 : memref<4096xf32, #tpu.memory_space<vmem>>)
      tpu.yield
    }) : () -> ()
    "tpu.region"() ({
      %run_scoped3A = tpu.sem_alloc : memref<!tpu.dma_semaphore, #tpu.memory_space<semaphore_mem>>
      %dma_start3A = tpu.memref_slice %arg3[%mul3A_2] : memref<1048576xi32, #tpu.memory_space<hbm>> -> memref<32768xi32, #tpu.memory_space<hbm>>
      %dma_start3A_14 = tpu.memref_slice %arg3[%mul3A_2] : memref<1048576xi32, #tpu.memory_space<hbm>> -> memref<32768xi32, #tpu.memory_space<hbm>>
      tpu.enqueue_dma source(%dma_start3A_14 : memref<32768xi32, #tpu.memory_space<hbm>>) target(%arg9 : memref<32768xi32, #tpu.memory_space<vmem>>) target_semaphore(%run_scoped3A : memref<!tpu.dma_semaphore, #tpu.memory_space<semaphore_mem>>)
      %dma_wait3A = tpu.memref_slice %arg3[%mul3A_2] : memref<1048576xi32, #tpu.memory_space<hbm>> -> memref<32768xi32, #tpu.memory_space<hbm>>
      %dma_wait3A_15 = tpu.memref_slice %arg3[%mul3A_2] : memref<1048576xi32, #tpu.memory_space<hbm>> -> memref<32768xi32, #tpu.memory_space<hbm>>
      tpu.wait_dma2 semaphore(%run_scoped3A : memref<!tpu.dma_semaphore, #tpu.memory_space<semaphore_mem>>) src(%dma_wait3A_15 : memref<32768xi32, #tpu.memory_space<hbm>>) dst(%arg9 : memref<32768xi32, #tpu.memory_space<vmem>>)
      tpu.yield
    }) : () -> ()
    "tpu.region"() ({
      %run_scoped3A = tpu.sem_alloc : memref<!tpu.dma_semaphore, #tpu.memory_space<semaphore_mem>>
      %dma_start3A = tpu.memref_slice %arg4[%mul3A_2] : memref<1048576xi32, #tpu.memory_space<hbm>> -> memref<32768xi32, #tpu.memory_space<hbm>>
      %dma_start3A_14 = tpu.memref_slice %arg4[%mul3A_2] : memref<1048576xi32, #tpu.memory_space<hbm>> -> memref<32768xi32, #tpu.memory_space<hbm>>
      tpu.enqueue_dma source(%dma_start3A_14 : memref<32768xi32, #tpu.memory_space<hbm>>) target(%arg10 : memref<32768xi32, #tpu.memory_space<vmem>>) target_semaphore(%run_scoped3A : memref<!tpu.dma_semaphore, #tpu.memory_space<semaphore_mem>>)
      %dma_wait3A = tpu.memref_slice %arg4[%mul3A_2] : memref<1048576xi32, #tpu.memory_space<hbm>> -> memref<32768xi32, #tpu.memory_space<hbm>>
      %dma_wait3A_15 = tpu.memref_slice %arg4[%mul3A_2] : memref<1048576xi32, #tpu.memory_space<hbm>> -> memref<32768xi32, #tpu.memory_space<hbm>>
      tpu.wait_dma2 semaphore(%run_scoped3A : memref<!tpu.dma_semaphore, #tpu.memory_space<semaphore_mem>>) src(%dma_wait3A_15 : memref<32768xi32, #tpu.memory_space<hbm>>) dst(%arg10 : memref<32768xi32, #tpu.memory_space<vmem>>)
      tpu.yield
    }) : () -> ()
    "tpu.region"() ({
      %run_scoped3A = tpu.sem_alloc : memref<!tpu.dma_semaphore, #tpu.memory_space<semaphore_mem>>
      %dma_start3A = tpu.memref_slice %arg5[%mul3A_2] : memref<1048576xf32, #tpu.memory_space<hbm>> -> memref<32768xf32, #tpu.memory_space<hbm>>
      %dma_start3A_14 = tpu.memref_slice %arg5[%mul3A_2] : memref<1048576xf32, #tpu.memory_space<hbm>> -> memref<32768xf32, #tpu.memory_space<hbm>>
      tpu.enqueue_dma source(%dma_start3A_14 : memref<32768xf32, #tpu.memory_space<hbm>>) target(%arg11 : memref<32768xf32, #tpu.memory_space<vmem>>) target_semaphore(%run_scoped3A : memref<!tpu.dma_semaphore, #tpu.memory_space<semaphore_mem>>)
      %dma_wait3A = tpu.memref_slice %arg5[%mul3A_2] : memref<1048576xf32, #tpu.memory_space<hbm>> -> memref<32768xf32, #tpu.memory_space<hbm>>
      %dma_wait3A_15 = tpu.memref_slice %arg5[%mul3A_2] : memref<1048576xf32, #tpu.memory_space<hbm>> -> memref<32768xf32, #tpu.memory_space<hbm>>
      tpu.wait_dma2 semaphore(%run_scoped3A : memref<!tpu.dma_semaphore, #tpu.memory_space<semaphore_mem>>) src(%dma_wait3A_15 : memref<32768xf32, #tpu.memory_space<hbm>>) dst(%arg11 : memref<32768xf32, #tpu.memory_space<vmem>>)
      tpu.yield
    }) : () -> ()
    %scan3A = arith.constant 0 : i32
    %scan3A_3 = arith.constant 0 : i32
    %scan3A_4 = arith.constant 256 : i32
    %scan3A_5 = arith.addi %scan3A_3, %scan3A_4 : i32
    %scan3A_6 = arith.constant 1 : i32
    scf.for %scan3A_14 = %scan3A_3 to %scan3A_5 step %scan3A_6  : i32 {
      %broadcast_in_dim3A = arith.constant 0.000000e+00 : f32
      %broadcast_in_dim3A_15 = vector.broadcast %broadcast_in_dim3A : f32 to vector<16xf32>
      %mul3A_16 = arith.constant 16 : i32
      %mul3A_17 = arith.muli %scan3A_14, %mul3A_16 : i32
      %swap3A = arith.index_cast %mul3A_17 : i32 to index
      %swap3A_18 = tpu.vector_load %arg8[%swap3A] {strides = array<i32>} : memref<4096xf32, #tpu.memory_space<vmem>>, vector<16xf32>,
      tpu.vector_store %arg8[%swap3A], %broadcast_in_dim3A_15 {strides = array<i32>} : memref<4096xf32, #tpu.memory_space<vmem>>, vector<16xf32>,
    }
    %scan3A_7 = arith.constant 256 : i32
    %scan3A_8 = arith.constant 0 : i32
    %scan3A_9 = arith.constant 0 : i32
    %scan3A_10 = arith.constant 2048 : i32
    %scan3A_11 = arith.addi %scan3A_9, %scan3A_10 : i32
    %scan3A_12 = arith.constant 1 : i32
    scf.for %scan3A_14 = %scan3A_9 to %scan3A_11 step %scan3A_12  : i32 {
      %mul3A_15 = arith.constant 16 : i32
      %mul3A_16 = arith.muli %scan3A_14, %mul3A_15 : i32
      %get3A = arith.index_cast %mul3A_16 : i32 to index
      %get3A_17 = tpu.vector_load %arg9[%get3A] {strides = array<i32>} : memref<32768xi32, #tpu.memory_space<vmem>>, vector<16xi32>,
      %get3A_18 = arith.index_cast %mul3A_16 : i32 to index
      %get3A_19 = tpu.vector_load %arg10[%get3A_18] {strides = array<i32>} : memref<32768xi32, #tpu.memory_space<vmem>>, vector<16xi32>,
      %get3A_20 = arith.index_cast %mul3A_16 : i32 to index
      %get3A_21 = tpu.vector_load %arg11[%get3A_20] {strides = array<i32>} : memref<32768xf32, #tpu.memory_space<vmem>>, vector<16xf32>,
      %gather3A = tpu.vector_load_idx %arg7[%get3A_17] : memref<4096xf32, #tpu.memory_space<vmem>>[vector<16xi32>], vector<16xf32>,
      %mul3A_22 = arith.mulf %gather3A, %get3A_21 : vector<16xf32>
      tpu.vector_store_idx %arg8[%get3A_19], %mul3A_22 {add = true} : memref<4096xf32, #tpu.memory_space<vmem>>[vector<16xi32>], vector<16xf32>,
    }
    %scan3A_13 = arith.constant 2048 : i32
    "tpu.region"() ({
      %run_scoped3A = tpu.sem_alloc : memref<!tpu.dma_semaphore, #tpu.memory_space<semaphore_mem>>
      %dma_start3A = arith.constant 0 : i32
      %dma_start3A_14 = tpu.memref_slice %arg6[%add3A, %dma_start3A] : memref<32x4096xf32, #tpu.memory_space<hbm>> -> memref<1x4096xf32, #tpu.memory_space<hbm>>
      %dma_start3A_15 = tpu.memref_squeeze %dma_start3A_14 : memref<1x4096xf32, #tpu.memory_space<hbm>> -> memref<4096xf32, #tpu.memory_space<hbm>>
      %dma_start3A_16 = arith.constant 0 : i32
      %dma_start3A_17 = tpu.memref_slice %arg6[%add3A, %dma_start3A_16] : memref<32x4096xf32, #tpu.memory_space<hbm>> -> memref<1x4096xf32, #tpu.memory_space<hbm>>
      %dma_start3A_18 = tpu.memref_squeeze %dma_start3A_17 : memref<1x4096xf32, #tpu.memory_space<hbm>> -> memref<4096xf32, #tpu.memory_space<hbm>>
      tpu.enqueue_dma source(%arg8 : memref<4096xf32, #tpu.memory_space<vmem>>) target(%dma_start3A_18 : memref<4096xf32, #tpu.memory_space<hbm>>) target_semaphore(%run_scoped3A : memref<!tpu.dma_semaphore, #tpu.memory_space<semaphore_mem>>)
      %dma_wait3A = arith.constant 0 : i32
      %dma_wait3A_19 = tpu.memref_slice %arg6[%add3A, %dma_wait3A] : memref<32x4096xf32, #tpu.memory_space<hbm>> -> memref<1x4096xf32, #tpu.memory_space<hbm>>
      %dma_wait3A_20 = tpu.memref_squeeze %dma_wait3A_19 : memref<1x4096xf32, #tpu.memory_space<hbm>> -> memref<4096xf32, #tpu.memory_space<hbm>>
      %dma_wait3A_21 = arith.constant 0 : i32
      %dma_wait3A_22 = tpu.memref_slice %arg6[%add3A, %dma_wait3A_21] : memref<32x4096xf32, #tpu.memory_space<hbm>> -> memref<1x4096xf32, #tpu.memory_space<hbm>>
      %dma_wait3A_23 = tpu.memref_squeeze %dma_wait3A_22 : memref<1x4096xf32, #tpu.memory_space<hbm>> -> memref<4096xf32, #tpu.memory_space<hbm>>
      tpu.wait_dma2 semaphore(%run_scoped3A : memref<!tpu.dma_semaphore, #tpu.memory_space<semaphore_mem>>) src(%arg8 : memref<4096xf32, #tpu.memory_space<vmem>>) dst(%dma_wait3A_23 : memref<4096xf32, #tpu.memory_space<hbm>>)
      tpu.yield
    }) : () -> ()
    return
  }
}

module attributes {stable_mosaic.version = 14 : i64} {
  func.func @body(%arg0: i32, %arg1: memref<256x4096xf32, #tpu.memory_space<vmem>>, %arg2: memref<1x4096xf32, #tpu.memory_space<vmem>>, %arg3: memref<256x4096xf32, #tpu.memory_space<vmem>>, %arg4: memref<1x4096xf32, #tpu.memory_space<vmem>>, %arg5: memref<1x2xf32, #tpu.memory_space<smem>>, %arg6: memref<1x4096xf32, #tpu.memory_space<vmem>>) attributes {dimension_semantics = [#tpu.dimension_semantics<arbitrary>], iteration_bounds = array<i64: 16>, scalar_prefetch = 0 : i64, scratch_operands = 2 : i64, tpu.core_type = #tpu.core_type<tc>, window_params = [{transform_indices = @transform_0, window_bounds = array<i64: 256, 4096>}, {pipeline_mode = #tpu.pipeline_mode<synchronous>, transform_indices = @transform_1, window_bounds = array<i64: 1, 4096>}, {transform_indices = @transform_2, window_bounds = array<i64: 256, 4096>}, {pipeline_mode = #tpu.pipeline_mode<synchronous>, transform_indices = @transform_3, window_bounds = array<i64: 1, 4096>}]} {
    %get3A = arith.constant 0 : index
    %get3A_0 = arith.constant 0 : index
    %get3A_1 = vector.load %arg1[%get3A, %get3A_0] : memref<256x4096xf32, #tpu.memory_space<vmem>>, vector<256x4096xf32>
    %swap3A = arith.constant 0 : index
    %swap3A_2 = arith.constant 0 : index
    %swap3A_3 = vector.load %arg3[%swap3A, %swap3A_2] : memref<256x4096xf32, #tpu.memory_space<vmem>>, vector<256x4096xf32>
    tpu.vector_store %arg3[%swap3A, %swap3A_2], %get3A_1 {strides = array<i32>} : memref<256x4096xf32, #tpu.memory_space<vmem>>, vector<256x4096xf32>,
    %get3A_4 = arith.constant 0 : index
    %get3A_5 = arith.constant 0 : index
    %get3A_6 = vector.load %arg2[%get3A_4, %get3A_5] : memref<1x4096xf32, #tpu.memory_space<vmem>>, vector<1x4096xf32>
    %get3A_7 = vector.shape_cast %get3A_6 : vector<1x4096xf32> to vector<4096xf32>
    %broadcast_in_dim3A = vector.shape_cast %get3A_7 : vector<4096xf32> to vector<1x4096xf32>
    %mul3A = vector.broadcast %broadcast_in_dim3A : vector<1x4096xf32> to vector<256x4096xf32>
    %mul3A_8 = arith.mulf %get3A_1, %mul3A : vector<256x4096xf32>
    %reduce_sum3A = arith.constant dense<0.000000e+00> : vector<256xf32>
    %reduce_sum3A_9 = vector.multi_reduction <add>, %mul3A_8, %reduce_sum3A [1] : vector<256x4096xf32> to vector<256xf32>
    %mul3A_10 = arith.constant 1.562500e-02 : f32
    %mul3A_11 = vector.broadcast %mul3A_10 : f32 to vector<256xf32>
    %mul3A_12 = arith.mulf %reduce_sum3A_9, %mul3A_11 : vector<256xf32>
    %eq3A = arith.constant 0 : i32
    %eq3A_13 = arith.cmpi eq, %arg0, %eq3A : i32
    %convert_element_type3A = arith.extui %eq3A_13 : i1 to i32
    %cond3A = arith.constant 0 : i32
    %cond3A_14 = arith.cmpi ne, %convert_element_type3A, %cond3A : i32
    scf.if %cond3A_14 {
      %swap3A_60 = arith.constant 0xFF800000 : f32
      %swap3A_61 = arith.constant 0 : index
      %swap3A_62 = arith.constant 0 : index
      %swap3A_63 = memref.load %arg5[%swap3A_61, %swap3A_62] : memref<1x2xf32, #tpu.memory_space<smem>>
      memref.store %swap3A_60, %arg5[%swap3A_61, %swap3A_62] : memref<1x2xf32, #tpu.memory_space<smem>>
      %swap3A_64 = arith.constant 0.000000e+00 : f32
      %swap3A_65 = arith.constant 0 : index
      %swap3A_66 = arith.constant 1 : index
      %swap3A_67 = memref.load %arg5[%swap3A_65, %swap3A_66] : memref<1x2xf32, #tpu.memory_space<smem>>
      memref.store %swap3A_64, %arg5[%swap3A_65, %swap3A_66] : memref<1x2xf32, #tpu.memory_space<smem>>
      %broadcast_in_dim3A_68 = arith.constant 0.000000e+00 : f32
      %broadcast_in_dim3A_69 = vector.broadcast %broadcast_in_dim3A_68 : f32 to vector<1x4096xf32>
      %swap3A_70 = arith.constant 0 : index
      %swap3A_71 = arith.constant 0 : index
      %swap3A_72 = vector.load %arg6[%swap3A_70, %swap3A_71] : memref<1x4096xf32, #tpu.memory_space<vmem>>, vector<1x4096xf32>
      tpu.vector_store %arg6[%swap3A_70, %swap3A_71], %broadcast_in_dim3A_69 {strides = array<i32>} : memref<1x4096xf32, #tpu.memory_space<vmem>>, vector<1x4096xf32>,
    } else {
    }
    %get3A_15 = arith.constant 0 : index
    %get3A_16 = arith.constant 0 : index
    %get3A_17 = memref.load %arg5[%get3A_15, %get3A_16] : memref<1x2xf32, #tpu.memory_space<smem>>
    %get3A_18 = arith.constant 0 : index
    %get3A_19 = arith.constant 1 : index
    %get3A_20 = memref.load %arg5[%get3A_18, %get3A_19] : memref<1x2xf32, #tpu.memory_space<smem>>
    %reduce_max3A = vector.shape_cast %mul3A_12 : vector<256xf32> to vector<1x256xf32>
    %reduce_max3A_21 = arith.constant dense<0xFF800000> : vector<1xf32>
    %reduce_max3A_22 = vector.multi_reduction <maximumf>, %reduce_max3A, %reduce_max3A_21 [1] : vector<1x256xf32> to vector<1xf32>
    %reduce_max3A_23 = vector.shape_cast %reduce_max3A_22 : vector<1xf32> to vector<1x1xf32>
    %reduce_max3A_24 = vector.extract %reduce_max3A_23[0, 0] : f32 from vector<1x1xf32>
    %max3A = arith.maximumf %get3A_17, %reduce_max3A_24 : f32
    %sub3A = arith.subf %get3A_17, %max3A : f32
    %exp3A = math.exp %sub3A : f32
    %sub3A_25 = vector.broadcast %max3A : f32 to vector<256xf32>
    %sub3A_26 = arith.subf %mul3A_12, %sub3A_25 : vector<256xf32>
    %exp3A_27 = math.exp %sub3A_26 : vector<256xf32>
    %swap3A_28 = arith.constant 0 : index
    %swap3A_29 = arith.constant 0 : index
    %swap3A_30 = memref.load %arg5[%swap3A_28, %swap3A_29] : memref<1x2xf32, #tpu.memory_space<smem>>
    memref.store %max3A, %arg5[%swap3A_28, %swap3A_29] : memref<1x2xf32, #tpu.memory_space<smem>>
    %mul3A_31 = arith.mulf %get3A_20, %exp3A : f32
    %reduce_sum3A_32 = vector.shape_cast %exp3A_27 : vector<256xf32> to vector<1x256xf32>
    %reduce_sum3A_33 = arith.constant dense<0.000000e+00> : vector<1xf32>
    %reduce_sum3A_34 = vector.multi_reduction <add>, %reduce_sum3A_32, %reduce_sum3A_33 [1] : vector<1x256xf32> to vector<1xf32>
    %reduce_sum3A_35 = vector.shape_cast %reduce_sum3A_34 : vector<1xf32> to vector<1x1xf32>
    %reduce_sum3A_36 = vector.extract %reduce_sum3A_35[0, 0] : f32 from vector<1x1xf32>
    %add3A = arith.addf %mul3A_31, %reduce_sum3A_36 : f32
    %swap3A_37 = arith.constant 0 : index
    %swap3A_38 = arith.constant 1 : index
    %swap3A_39 = memref.load %arg5[%swap3A_37, %swap3A_38] : memref<1x2xf32, #tpu.memory_space<smem>>
    memref.store %add3A, %arg5[%swap3A_37, %swap3A_38] : memref<1x2xf32, #tpu.memory_space<smem>>
    %get3A_40 = arith.constant 0 : index
    %get3A_41 = arith.constant 0 : index
    %get3A_42 = vector.load %arg6[%get3A_40, %get3A_41] : memref<1x4096xf32, #tpu.memory_space<vmem>>, vector<1x4096xf32>
    %mul3A_43 = vector.broadcast %exp3A : f32 to vector<1x4096xf32>
    %mul3A_44 = arith.mulf %get3A_42, %mul3A_43 : vector<1x4096xf32>
    %broadcast_in_dim3A_45 = vector.shape_cast %exp3A_27 : vector<256xf32> to vector<256x1xf32>
    %mul3A_46 = vector.broadcast %broadcast_in_dim3A_45 : vector<256x1xf32> to vector<256x4096xf32>
    %mul3A_47 = arith.mulf %mul3A_46, %get3A_1 : vector<256x4096xf32>
    %reduce_sum3A_48 = arith.constant dense<0.000000e+00> : vector<4096xf32>
    %reduce_sum3A_49 = vector.multi_reduction <add>, %mul3A_47, %reduce_sum3A_48 [0] : vector<256x4096xf32> to vector<4096xf32>
    %broadcast_in_dim3A_50 = vector.shape_cast %reduce_sum3A_49 : vector<4096xf32> to vector<1x4096xf32>
    %add3A_51 = arith.addf %mul3A_44, %broadcast_in_dim3A_50 : vector<1x4096xf32>
    %swap3A_52 = arith.constant 0 : index
    %swap3A_53 = arith.constant 0 : index
    %swap3A_54 = vector.load %arg6[%swap3A_52, %swap3A_53] : memref<1x4096xf32, #tpu.memory_space<vmem>>, vector<1x4096xf32>
    tpu.vector_store %arg6[%swap3A_52, %swap3A_53], %add3A_51 {strides = array<i32>} : memref<1x4096xf32, #tpu.memory_space<vmem>>, vector<1x4096xf32>,
    %eq3A_55 = arith.constant 15 : i32
    %eq3A_56 = arith.cmpi eq, %arg0, %eq3A_55 : i32
    %convert_element_type3A_57 = arith.extui %eq3A_56 : i1 to i32
    %cond3A_58 = arith.constant 0 : i32
    %cond3A_59 = arith.cmpi ne, %convert_element_type3A_57, %cond3A_58 : i32
    scf.if %cond3A_59 {
      %get3A_60 = arith.constant 0 : index
      %get3A_61 = arith.constant 0 : index
      %get3A_62 = vector.load %arg6[%get3A_60, %get3A_61] : memref<1x4096xf32, #tpu.memory_space<vmem>>, vector<1x4096xf32>
      %get3A_63 = arith.constant 0 : index
      %get3A_64 = arith.constant 1 : index
      %get3A_65 = memref.load %arg5[%get3A_63, %get3A_64] : memref<1x2xf32, #tpu.memory_space<smem>>
      %div3A = vector.broadcast %get3A_65 : f32 to vector<1x4096xf32>
      %div3A_66 = arith.divf %get3A_62, %div3A : vector<1x4096xf32>
      %swap3A_67 = arith.constant 0 : index
      %swap3A_68 = arith.constant 0 : index
      %swap3A_69 = vector.load %arg4[%swap3A_67, %swap3A_68] : memref<1x4096xf32, #tpu.memory_space<vmem>>, vector<1x4096xf32>
      tpu.vector_store %arg4[%swap3A_67, %swap3A_68], %div3A_66 {strides = array<i32>} : memref<1x4096xf32, #tpu.memory_space<vmem>>, vector<1x4096xf32>,
    } else {
    }
    return
  }
  func.func @transform_0(%arg0: i32) -> (i32, i32) {
    %c0_i32 = arith.constant 0 : i32
    %c0_i32_0 = arith.constant 0 : i32
    return %arg0, %c0_i32 : i32, i32
  }
  func.func @transform_1(%arg0: i32) -> (i32, i32) {
    %c0_i32 = arith.constant 0 : i32
    %c0_i32_0 = arith.constant 0 : i32
    %c0_i32_1 = arith.constant 0 : i32
    return %c0_i32, %c0_i32_0 : i32, i32
  }
  func.func @transform_2(%arg0: i32) -> (i32, i32) {
    %c0_i32 = arith.constant 0 : i32
    %c0_i32_0 = arith.constant 0 : i32
    return %arg0, %c0_i32 : i32, i32
  }
  func.func @transform_3(%arg0: i32) -> (i32, i32) {
    %c0_i32 = arith.constant 0 : i32
    %c0_i32_0 = arith.constant 0 : i32
    %c0_i32_1 = arith.constant 0 : i32
    return %c0_i32, %c0_i32_0 : i32, i32
  }
}

module attributes {stable_mosaic.version = 14 : i64} {
  func.func @body(%arg0: i32, %arg1: memref<1x256xf32, #tpu.memory_space<vmem>>, %arg2: memref<256x4096xf32, #tpu.memory_space<vmem>>, %arg3: memref<1x4096xf32, #tpu.memory_space<vmem>>) attributes {dimension_semantics = [#tpu.dimension_semantics<arbitrary>], iteration_bounds = array<i64: 16>, scalar_prefetch = 0 : i64, scratch_operands = 0 : i64, tpu.core_type = #tpu.core_type<tc>, window_params = [{transform_indices = @transform_0, window_bounds = array<i64: 1, 256>}, {transform_indices = @transform_1, window_bounds = array<i64: 256, 4096>}, {pipeline_mode = #tpu.pipeline_mode<synchronous>, transform_indices = @transform_2, window_bounds = array<i64: 1, 4096>}]} {
    %eq3A = arith.constant 0 : i32
    %eq3A_0 = arith.cmpi eq, %arg0, %eq3A : i32
    %convert_element_type3A = arith.extui %eq3A_0 : i1 to i32
    %cond3A = arith.constant 0 : i32
    %cond3A_1 = arith.cmpi ne, %convert_element_type3A, %cond3A : i32
    scf.if %cond3A_1 {
      %broadcast_in_dim3A_18 = arith.constant 0.000000e+00 : f32
      %broadcast_in_dim3A_19 = vector.broadcast %broadcast_in_dim3A_18 : f32 to vector<1x4096xf32>
      %swap3A_20 = arith.constant 0 : index
      %swap3A_21 = arith.constant 0 : index
      %swap3A_22 = vector.load %arg3[%swap3A_20, %swap3A_21] : memref<1x4096xf32, #tpu.memory_space<vmem>>, vector<1x4096xf32>
      tpu.vector_store %arg3[%swap3A_20, %swap3A_21], %broadcast_in_dim3A_19 {strides = array<i32>} : memref<1x4096xf32, #tpu.memory_space<vmem>>, vector<1x4096xf32>,
    } else {
    }
    %get3A = arith.constant 0 : index
    %get3A_2 = arith.constant 0 : index
    %get3A_3 = vector.load %arg3[%get3A, %get3A_2] : memref<1x4096xf32, #tpu.memory_space<vmem>>, vector<1x4096xf32>
    %get3A_4 = vector.shape_cast %get3A_3 : vector<1x4096xf32> to vector<4096xf32>
    %get3A_5 = arith.constant 0 : index
    %get3A_6 = arith.constant 0 : index
    %get3A_7 = vector.load %arg2[%get3A_5, %get3A_6] : memref<256x4096xf32, #tpu.memory_space<vmem>>, vector<256x4096xf32>
    %get3A_8 = arith.constant 0 : index
    %get3A_9 = arith.constant 0 : index
    %get3A_10 = vector.load %arg1[%get3A_8, %get3A_9] : memref<1x256xf32, #tpu.memory_space<vmem>>, vector<1x256xf32>
    %get3A_11 = vector.shape_cast %get3A_10 : vector<1x256xf32> to vector<256xf32>
    %broadcast_in_dim3A = vector.shape_cast %get3A_11 : vector<256xf32> to vector<256x1xf32>
    %mul3A = vector.broadcast %broadcast_in_dim3A : vector<256x1xf32> to vector<256x4096xf32>
    %mul3A_12 = arith.mulf %get3A_7, %mul3A : vector<256x4096xf32>
    %reduce_sum3A = arith.constant dense<0.000000e+00> : vector<4096xf32>
    %reduce_sum3A_13 = vector.multi_reduction <add>, %mul3A_12, %reduce_sum3A [0] : vector<256x4096xf32> to vector<4096xf32>
    %add3A = arith.addf %get3A_4, %reduce_sum3A_13 : vector<4096xf32>
    %swap3A = arith.constant 0 : index
    %swap3A_14 = arith.constant 0 : index
    %swap3A_15 = vector.load %arg3[%swap3A, %swap3A_14] : memref<1x4096xf32, #tpu.memory_space<vmem>>, vector<1x4096xf32>
    %swap3A_16 = vector.shape_cast %swap3A_15 : vector<1x4096xf32> to vector<4096xf32>
    %swap3A_17 = vector.shape_cast %add3A : vector<4096xf32> to vector<1x4096xf32>
    tpu.vector_store %arg3[%swap3A, %swap3A_14], %swap3A_17 {strides = array<i32>} : memref<1x4096xf32, #tpu.memory_space<vmem>>, vector<1x4096xf32>,
    return
  }
  func.func @transform_0(%arg0: i32) -> (i32, i32) {
    %c0_i32 = arith.constant 0 : i32
    %c0_i32_0 = arith.constant 0 : i32
    return %c0_i32, %arg0 : i32, i32
  }
  func.func @transform_1(%arg0: i32) -> (i32, i32) {
    %c0_i32 = arith.constant 0 : i32
    %c0_i32_0 = arith.constant 0 : i32
    return %arg0, %c0_i32 : i32, i32
  }
  func.func @transform_2(%arg0: i32) -> (i32, i32) {
    %c0_i32 = arith.constant 0 : i32
    %c0_i32_0 = arith.constant 0 : i32
    %c0_i32_1 = arith.constant 0 : i32
    return %c0_i32, %c0_i32_0 : i32, i32
  }
}

module attributes {stable_mosaic.version = 14 : i64} {
  func.func @body(%arg0: i32, %arg1: memref<32x4096xf32, #tpu.memory_space<vmem>>, %arg2: memref<1x4096xf32, #tpu.memory_space<vmem>>, %arg3: memref<1x4096xf32, #tpu.memory_space<vmem>>) attributes {dimension_semantics = [#tpu.dimension_semantics<arbitrary>], iteration_bounds = array<i64: 1>, scalar_prefetch = 0 : i64, scratch_operands = 0 : i64, tpu.core_type = #tpu.core_type<tc>, window_params = [{pipeline_mode = #tpu.pipeline_mode<synchronous>, transform_indices = @transform_0, window_bounds = array<i64: 32, 4096>}, {pipeline_mode = #tpu.pipeline_mode<synchronous>, transform_indices = @transform_1, window_bounds = array<i64: 1, 4096>}, {pipeline_mode = #tpu.pipeline_mode<synchronous>, transform_indices = @transform_2, window_bounds = array<i64: 1, 4096>}]} {
    %get3A = arith.constant 0 : index
    %get3A_0 = arith.constant 0 : index
    %get3A_1 = vector.load %arg1[%get3A, %get3A_0] : memref<32x4096xf32, #tpu.memory_space<vmem>>, vector<32x4096xf32>
    %reduce_sum3A = arith.constant dense<0.000000e+00> : vector<4096xf32>
    %reduce_sum3A_2 = vector.multi_reduction <add>, %get3A_1, %reduce_sum3A [0] : vector<32x4096xf32> to vector<4096xf32>
    %get3A_3 = arith.constant 0 : index
    %get3A_4 = arith.constant 0 : index
    %get3A_5 = vector.load %arg2[%get3A_3, %get3A_4] : memref<1x4096xf32, #tpu.memory_space<vmem>>, vector<1x4096xf32>
    %get3A_6 = vector.shape_cast %get3A_5 : vector<1x4096xf32> to vector<4096xf32>
    %add3A = arith.addf %reduce_sum3A_2, %get3A_6 : vector<4096xf32>
    %mul3A = arith.constant 5.000000e-01 : f32
    %mul3A_7 = vector.broadcast %mul3A : f32 to vector<4096xf32>
    %mul3A_8 = arith.mulf %add3A, %mul3A_7 : vector<4096xf32>
    %mul3A_9 = arith.constant 0.707106769 : f32
    %mul3A_10 = vector.broadcast %mul3A_9 : f32 to vector<4096xf32>
    %mul3A_11 = arith.mulf %add3A, %mul3A_10 : vector<4096xf32>
    %erf3A = math.erf %mul3A_11 : vector<4096xf32>
    %add3A_12 = arith.constant 1.000000e+00 : f32
    %add3A_13 = vector.broadcast %add3A_12 : f32 to vector<4096xf32>
    %add3A_14 = arith.addf %add3A_13, %erf3A : vector<4096xf32>
    %mul3A_15 = arith.mulf %mul3A_8, %add3A_14 : vector<4096xf32>
    %swap3A = arith.constant 0 : index
    %swap3A_16 = arith.constant 0 : index
    %swap3A_17 = vector.load %arg3[%swap3A, %swap3A_16] : memref<1x4096xf32, #tpu.memory_space<vmem>>, vector<1x4096xf32>
    %swap3A_18 = vector.shape_cast %swap3A_17 : vector<1x4096xf32> to vector<4096xf32>
    %swap3A_19 = vector.shape_cast %mul3A_15 : vector<4096xf32> to vector<1x4096xf32>
    tpu.vector_store %arg3[%swap3A, %swap3A_16], %swap3A_19 {strides = array<i32>} : memref<1x4096xf32, #tpu.memory_space<vmem>>, vector<1x4096xf32>,
    return
  }
  func.func @transform_0(%arg0: i32) -> (i32, i32) {
    %c0_i32 = arith.constant 0 : i32
    %c0_i32_0 = arith.constant 0 : i32
    %c0_i32_1 = arith.constant 0 : i32
    return %c0_i32, %c0_i32_0 : i32, i32
  }
  func.func @transform_1(%arg0: i32) -> (i32, i32) {
    %c0_i32 = arith.constant 0 : i32
    %c0_i32_0 = arith.constant 0 : i32
    %c0_i32_1 = arith.constant 0 : i32
    return %c0_i32, %c0_i32_0 : i32, i32
  }
  func.func @transform_2(%arg0: i32) -> (i32, i32) {
    %c0_i32 = arith.constant 0 : i32
    %c0_i32_0 = arith.constant 0 : i32
    %c0_i32_1 = arith.constant 0 : i32
    return %c0_i32, %c0_i32_0 : i32, i32
  }
}

module attributes {stable_mosaic.version = 14 : i64} {
  func.func @body(%arg0: i32, %arg1: memref<256x4096xf32, #tpu.memory_space<vmem>>, %arg2: memref<1x4096xf32, #tpu.memory_space<vmem>>, %arg3: memref<1x256xf32, #tpu.memory_space<vmem>>) attributes {dimension_semantics = [#tpu.dimension_semantics<arbitrary>], iteration_bounds = array<i64: 16>, scalar_prefetch = 0 : i64, scratch_operands = 0 : i64, tpu.core_type = #tpu.core_type<tc>, window_params = [{transform_indices = @transform_0, window_bounds = array<i64: 256, 4096>}, {pipeline_mode = #tpu.pipeline_mode<synchronous>, transform_indices = @transform_1, window_bounds = array<i64: 1, 4096>}, {transform_indices = @transform_2, window_bounds = array<i64: 1, 256>}]} {
    %get3A = arith.constant 0 : index
    %get3A_0 = arith.constant 0 : index
    %get3A_1 = vector.load %arg1[%get3A, %get3A_0] : memref<256x4096xf32, #tpu.memory_space<vmem>>, vector<256x4096xf32>
    %get3A_2 = arith.constant 0 : index
    %get3A_3 = arith.constant 0 : index
    %get3A_4 = vector.load %arg2[%get3A_2, %get3A_3] : memref<1x4096xf32, #tpu.memory_space<vmem>>, vector<1x4096xf32>
    %get3A_5 = vector.shape_cast %get3A_4 : vector<1x4096xf32> to vector<4096xf32>
    %broadcast_in_dim3A = vector.shape_cast %get3A_5 : vector<4096xf32> to vector<1x4096xf32>
    %mul3A = vector.broadcast %broadcast_in_dim3A : vector<1x4096xf32> to vector<256x4096xf32>
    %mul3A_6 = arith.mulf %get3A_1, %mul3A : vector<256x4096xf32>
    %reduce_sum3A = arith.constant dense<0.000000e+00> : vector<256xf32>
    %reduce_sum3A_7 = vector.multi_reduction <add>, %mul3A_6, %reduce_sum3A [1] : vector<256x4096xf32> to vector<256xf32>
    %swap3A = arith.constant 0 : index
    %swap3A_8 = arith.constant 0 : index
    %swap3A_9 = vector.load %arg3[%swap3A, %swap3A_8] : memref<1x256xf32, #tpu.memory_space<vmem>>, vector<1x256xf32>
    %swap3A_10 = vector.shape_cast %swap3A_9 : vector<1x256xf32> to vector<256xf32>
    %swap3A_11 = vector.shape_cast %reduce_sum3A_7 : vector<256xf32> to vector<1x256xf32>
    tpu.vector_store %arg3[%swap3A, %swap3A_8], %swap3A_11 {strides = array<i32>} : memref<1x256xf32, #tpu.memory_space<vmem>>, vector<1x256xf32>,
    return
  }
  func.func @transform_0(%arg0: i32) -> (i32, i32) {
    %c0_i32 = arith.constant 0 : i32
    %c0_i32_0 = arith.constant 0 : i32
    return %arg0, %c0_i32 : i32, i32
  }
  func.func @transform_1(%arg0: i32) -> (i32, i32) {
    %c0_i32 = arith.constant 0 : i32
    %c0_i32_0 = arith.constant 0 : i32
    %c0_i32_1 = arith.constant 0 : i32
    return %c0_i32, %c0_i32_0 : i32, i32
  }
  func.func @transform_2(%arg0: i32) -> (i32, i32) {
    %c0_i32 = arith.constant 0 : i32
    %c0_i32_0 = arith.constant 0 : i32
    return %c0_i32, %arg0 : i32, i32
  }
}

module attributes {stable_mosaic.version = 14 : i64} {
  func.func @body(%arg0: i32, %arg1: memref<256x8192xf32, #tpu.memory_space<vmem>>, %arg2: memref<1x4096xf32, #tpu.memory_space<vmem>>, %arg3: memref<1x4096xf32, #tpu.memory_space<vmem>>, %arg4: memref<1x4096xf32, #tpu.memory_space<vmem>>, %arg5: memref<1x4096xf32, #tpu.memory_space<vmem>>, %arg6: memref<1x4096xf32, #tpu.memory_space<vmem>>, %arg7: memref<1x4096xf32, #tpu.memory_space<vmem>>, %arg8: memref<1x4096xf32, #tpu.memory_space<vmem>>, %arg9: memref<1x4096xf32, #tpu.memory_space<vmem>>) attributes {dimension_semantics = [#tpu.dimension_semantics<arbitrary>], iteration_bounds = array<i64: 16>, scalar_prefetch = 0 : i64, scratch_operands = 1 : i64, tpu.core_type = #tpu.core_type<tc>, window_params = [{transform_indices = @transform_0, window_bounds = array<i64: 256, 8192>}, {pipeline_mode = #tpu.pipeline_mode<synchronous>, transform_indices = @transform_1, window_bounds = array<i64: 1, 4096>}, {pipeline_mode = #tpu.pipeline_mode<synchronous>, transform_indices = @transform_2, window_bounds = array<i64: 1, 4096>}, {pipeline_mode = #tpu.pipeline_mode<synchronous>, transform_indices = @transform_3, window_bounds = array<i64: 1, 4096>}, {pipeline_mode = #tpu.pipeline_mode<synchronous>, transform_indices = @transform_4, window_bounds = array<i64: 1, 4096>}, {pipeline_mode = #tpu.pipeline_mode<synchronous>, transform_indices = @transform_5, window_bounds = array<i64: 1, 4096>}, {pipeline_mode = #tpu.pipeline_mode<synchronous>, transform_indices = @transform_6, window_bounds = array<i64: 1, 4096>}, {pipeline_mode = #tpu.pipeline_mode<synchronous>, transform_indices = @transform_7, window_bounds = array<i64: 1, 4096>}]} {
    %get3A = arith.constant 0 : index
    %get3A_0 = arith.constant 0 : index
    %get3A_1 = vector.load %arg1[%get3A, %get3A_0] : memref<256x8192xf32, #tpu.memory_space<vmem>>, vector<256x4096xf32>
    %get3A_2 = arith.constant 0 : index
    %get3A_3 = arith.constant 0 : index
    %get3A_4 = vector.load %arg2[%get3A_2, %get3A_3] : memref<1x4096xf32, #tpu.memory_space<vmem>>, vector<1x4096xf32>
    %get3A_5 = vector.shape_cast %get3A_4 : vector<1x4096xf32> to vector<4096xf32>
    %broadcast_in_dim3A = vector.shape_cast %get3A_5 : vector<4096xf32> to vector<1x4096xf32>
    %mul3A = vector.broadcast %broadcast_in_dim3A : vector<1x4096xf32> to vector<256x4096xf32>
    %mul3A_6 = arith.mulf %get3A_1, %mul3A : vector<256x4096xf32>
    %reduce_sum3A = arith.constant dense<0.000000e+00> : vector<256xf32>
    %reduce_sum3A_7 = vector.multi_reduction <add>, %mul3A_6, %reduce_sum3A [1] : vector<256x4096xf32> to vector<256xf32>
    %get3A_8 = arith.constant 0 : index
    %get3A_9 = arith.constant 4096 : index
    %get3A_10 = vector.load %arg1[%get3A_8, %get3A_9] : memref<256x8192xf32, #tpu.memory_space<vmem>>, vector<256x4096xf32>
    %get3A_11 = arith.constant 0 : index
    %get3A_12 = arith.constant 0 : index
    %get3A_13 = vector.load %arg3[%get3A_11, %get3A_12] : memref<1x4096xf32, #tpu.memory_space<vmem>>, vector<1x4096xf32>
    %get3A_14 = vector.shape_cast %get3A_13 : vector<1x4096xf32> to vector<4096xf32>
    %broadcast_in_dim3A_15 = vector.shape_cast %get3A_14 : vector<4096xf32> to vector<1x4096xf32>
    %mul3A_16 = vector.broadcast %broadcast_in_dim3A_15 : vector<1x4096xf32> to vector<256x4096xf32>
    %mul3A_17 = arith.mulf %get3A_10, %mul3A_16 : vector<256x4096xf32>
    %reduce_sum3A_18 = arith.constant dense<0.000000e+00> : vector<256xf32>
    %reduce_sum3A_19 = vector.multi_reduction <add>, %mul3A_17, %reduce_sum3A_18 [1] : vector<256x4096xf32> to vector<256xf32>
    %add3A = arith.addf %reduce_sum3A_7, %reduce_sum3A_19 : vector<256xf32>
    %mul3A_20 = arith.constant 256 : i32
    %mul3A_21 = arith.muli %arg0, %mul3A_20 : i32
    %get3A_22 = arith.constant 0 : index
    %get3A_23 = arith.index_cast %mul3A_21 : i32 to index
    %get3A_24 = vector.load %arg4[%get3A_22, %get3A_23] : memref<1x4096xf32, #tpu.memory_space<vmem>>, vector<1x256xf32>
    %get3A_25 = vector.shape_cast %get3A_24 : vector<1x256xf32> to vector<256xf32>
    %add3A_26 = arith.addf %add3A, %get3A_25 : vector<256xf32>
    %logistic3A = arith.negf %add3A_26 : vector<256xf32>
    %logistic3A_27 = math.exp %logistic3A : vector<256xf32>
    %logistic3A_28 = arith.constant 1.000000e+00 : f32
    %logistic3A_29 = vector.broadcast %logistic3A_28 : f32 to vector<256xf32>
    %logistic3A_30 = arith.addf %logistic3A_29, %logistic3A_27 : vector<256xf32>
    %logistic3A_31 = arith.divf %logistic3A_29, %logistic3A_30 : vector<256xf32>
    %mul3A_32 = arith.constant 256 : i32
    %mul3A_33 = arith.muli %arg0, %mul3A_32 : i32
    %get3A_34 = arith.constant 0 : index
    %get3A_35 = arith.index_cast %mul3A_33 : i32 to index
    %get3A_36 = vector.load %arg2[%get3A_34, %get3A_35] : memref<1x4096xf32, #tpu.memory_space<vmem>>, vector<1x256xf32>
    %get3A_37 = vector.shape_cast %get3A_36 : vector<1x256xf32> to vector<256xf32>
    %mul3A_38 = arith.constant 256 : i32
    %mul3A_39 = arith.muli %arg0, %mul3A_38 : i32
    %get3A_40 = arith.constant 0 : index
    %get3A_41 = arith.index_cast %mul3A_39 : i32 to index
    %get3A_42 = vector.load %arg3[%get3A_40, %get3A_41] : memref<1x4096xf32, #tpu.memory_space<vmem>>, vector<1x256xf32>
    %get3A_43 = vector.shape_cast %get3A_42 : vector<1x256xf32> to vector<256xf32>
    %mul3A_44 = arith.mulf %logistic3A_31, %get3A_37 : vector<256xf32>
    %sub3A = arith.constant 1.000000e+00 : f32
    %sub3A_45 = vector.broadcast %sub3A : f32 to vector<256xf32>
    %sub3A_46 = arith.subf %sub3A_45, %logistic3A_31 : vector<256xf32>
    %mul3A_47 = arith.mulf %sub3A_46, %get3A_43 : vector<256xf32>
    %add3A_48 = arith.addf %mul3A_44, %mul3A_47 : vector<256xf32>
    %mul3A_49 = arith.constant 256 : i32
    %mul3A_50 = arith.muli %arg0, %mul3A_49 : i32
    %swap3A = arith.constant 0 : index
    %swap3A_51 = arith.index_cast %mul3A_50 : i32 to index
    %swap3A_52 = vector.load %arg9[%swap3A, %swap3A_51] : memref<1x4096xf32, #tpu.memory_space<vmem>>, vector<1x256xf32>
    %swap3A_53 = vector.shape_cast %swap3A_52 : vector<1x256xf32> to vector<256xf32>
    %swap3A_54 = vector.shape_cast %add3A_48 : vector<256xf32> to vector<1x256xf32>
    tpu.vector_store %arg9[%swap3A, %swap3A_51], %swap3A_54 {strides = array<i32>} : memref<1x4096xf32, #tpu.memory_space<vmem>>, vector<1x256xf32>,
    %eq3A = arith.constant 15 : i32
    %eq3A_55 = arith.cmpi eq, %arg0, %eq3A : i32
    %convert_element_type3A = arith.extui %eq3A_55 : i1 to i32
    %cond3A = arith.constant 0 : i32
    %cond3A_56 = arith.cmpi ne, %convert_element_type3A, %cond3A : i32
    scf.if %cond3A_56 {
      %get3A_57 = arith.constant 0 : index
      %get3A_58 = arith.constant 0 : index
      %get3A_59 = vector.load %arg5[%get3A_57, %get3A_58] : memref<1x4096xf32, #tpu.memory_space<vmem>>, vector<1x4096xf32>
      %get3A_60 = vector.shape_cast %get3A_59 : vector<1x4096xf32> to vector<4096xf32>
      %get3A_61 = arith.constant 0 : index
      %get3A_62 = arith.constant 0 : index
      %get3A_63 = vector.load %arg9[%get3A_61, %get3A_62] : memref<1x4096xf32, #tpu.memory_space<vmem>>, vector<1x4096xf32>
      %get3A_64 = vector.shape_cast %get3A_63 : vector<1x4096xf32> to vector<4096xf32>
      %add3A_65 = arith.addf %get3A_60, %get3A_64 : vector<4096xf32>
      %reduce_sum3A_66 = vector.shape_cast %add3A_65 : vector<4096xf32> to vector<1x4096xf32>
      %reduce_sum3A_67 = arith.constant dense<0.000000e+00> : vector<1xf32>
      %reduce_sum3A_68 = vector.multi_reduction <add>, %reduce_sum3A_66, %reduce_sum3A_67 [1] : vector<1x4096xf32> to vector<1xf32>
      %reduce_sum3A_69 = vector.shape_cast %reduce_sum3A_68 : vector<1xf32> to vector<1x1xf32>
      %reduce_sum3A_70 = vector.extract %reduce_sum3A_69[0, 0] : f32 from vector<1x1xf32>
      %div3A = arith.constant 4.096000e+03 : f32
      %div3A_71 = arith.divf %reduce_sum3A_70, %div3A : f32
      %sub3A_72 = vector.broadcast %div3A_71 : f32 to vector<4096xf32>
      %sub3A_73 = arith.subf %add3A_65, %sub3A_72 : vector<4096xf32>
      %integer_pow3A = arith.mulf %sub3A_73, %sub3A_73 : vector<4096xf32>
      %reduce_sum3A_74 = vector.shape_cast %integer_pow3A : vector<4096xf32> to vector<1x4096xf32>
      %reduce_sum3A_75 = arith.constant dense<0.000000e+00> : vector<1xf32>
      %reduce_sum3A_76 = vector.multi_reduction <add>, %reduce_sum3A_74, %reduce_sum3A_75 [1] : vector<1x4096xf32> to vector<1xf32>
      %reduce_sum3A_77 = vector.shape_cast %reduce_sum3A_76 : vector<1xf32> to vector<1x1xf32>
      %reduce_sum3A_78 = vector.extract %reduce_sum3A_77[0, 0] : f32 from vector<1x1xf32>
      %div3A_79 = arith.constant 4.096000e+03 : f32
      %div3A_80 = arith.divf %reduce_sum3A_78, %div3A_79 : f32
      %sub3A_81 = vector.broadcast %div3A_71 : f32 to vector<4096xf32>
      %sub3A_82 = arith.subf %add3A_65, %sub3A_81 : vector<4096xf32>
      %add3A_83 = arith.constant 9.99999974E-6 : f32
      %add3A_84 = arith.addf %div3A_80, %add3A_83 : f32
      %rsqrt3A = math.rsqrt %add3A_84 : f32
      %mul3A_85 = vector.broadcast %rsqrt3A : f32 to vector<4096xf32>
      %mul3A_86 = arith.mulf %sub3A_82, %mul3A_85 : vector<4096xf32>
      %get3A_87 = arith.constant 0 : index
      %get3A_88 = arith.constant 0 : index
      %get3A_89 = vector.load %arg6[%get3A_87, %get3A_88] : memref<1x4096xf32, #tpu.memory_space<vmem>>, vector<1x4096xf32>
      %get3A_90 = vector.shape_cast %get3A_89 : vector<1x4096xf32> to vector<4096xf32>
      %mul3A_91 = arith.mulf %mul3A_86, %get3A_90 : vector<4096xf32>
      %get3A_92 = arith.constant 0 : index
      %get3A_93 = arith.constant 0 : index
      %get3A_94 = vector.load %arg7[%get3A_92, %get3A_93] : memref<1x4096xf32, #tpu.memory_space<vmem>>, vector<1x4096xf32>
      %get3A_95 = vector.shape_cast %get3A_94 : vector<1x4096xf32> to vector<4096xf32>
      %add3A_96 = arith.addf %mul3A_91, %get3A_95 : vector<4096xf32>
      %swap3A_97 = arith.constant 0 : index
      %swap3A_98 = arith.constant 0 : index
      %swap3A_99 = vector.load %arg8[%swap3A_97, %swap3A_98] : memref<1x4096xf32, #tpu.memory_space<vmem>>, vector<1x4096xf32>
      %swap3A_100 = vector.shape_cast %swap3A_99 : vector<1x4096xf32> to vector<4096xf32>
      %swap3A_101 = vector.shape_cast %add3A_96 : vector<4096xf32> to vector<1x4096xf32>
      tpu.vector_store %arg8[%swap3A_97, %swap3A_98], %swap3A_101 {strides = array<i32>} : memref<1x4096xf32, #tpu.memory_space<vmem>>, vector<1x4096xf32>,
    } else {
    }
    return
  }
  func.func @transform_0(%arg0: i32) -> (i32, i32) {
    %c0_i32 = arith.constant 0 : i32
    %c0_i32_0 = arith.constant 0 : i32
    return %arg0, %c0_i32 : i32, i32
  }
  func.func @transform_1(%arg0: i32) -> (i32, i32) {
    %c0_i32 = arith.constant 0 : i32
    %c0_i32_0 = arith.constant 0 : i32
    %c0_i32_1 = arith.constant 0 : i32
    return %c0_i32, %c0_i32_0 : i32, i32
  }
  func.func @transform_2(%arg0: i32) -> (i32, i32) {
    %c0_i32 = arith.constant 0 : i32
    %c0_i32_0 = arith.constant 0 : i32
    %c0_i32_1 = arith.constant 0 : i32
    return %c0_i32, %c0_i32_0 : i32, i32
  }
  func.func @transform_3(%arg0: i32) -> (i32, i32) {
    %c0_i32 = arith.constant 0 : i32
    %c0_i32_0 = arith.constant 0 : i32
    %c0_i32_1 = arith.constant 0 : i32
    return %c0_i32, %c0_i32_0 : i32, i32
  }
  func.func @transform_4(%arg0: i32) -> (i32, i32) {
    %c0_i32 = arith.constant 0 : i32
    %c0_i32_0 = arith.constant 0 : i32
    %c0_i32_1 = arith.constant 0 : i32
    return %c0_i32, %c0_i32_0 : i32, i32
  }
  func.func @transform_5(%arg0: i32) -> (i32, i32) {
    %c0_i32 = arith.constant 0 : i32
    %c0_i32_0 = arith.constant 0 : i32
    %c0_i32_1 = arith.constant 0 : i32
    return %c0_i32, %c0_i32_0 : i32, i32
  }
  func.func @transform_6(%arg0: i32) -> (i32, i32) {
    %c0_i32 = arith.constant 0 : i32
    %c0_i32_0 = arith.constant 0 : i32
    %c0_i32_1 = arith.constant 0 : i32
    return %c0_i32, %c0_i32_0 : i32, i32
  }
  func.func @transform_7(%arg0: i32) -> (i32, i32) {
    %c0_i32 = arith.constant 0 : i32
    %c0_i32_0 = arith.constant 0 : i32
    %c0_i32_1 = arith.constant 0 : i32
    return %c0_i32, %c0_i32_0 : i32, i32
  }
}

</mosaic_0001>

<sc_bundles>
// kernel: kernel.9.cloned.1.call-start
scs
__scs_entry_jumppad:
0x0: {  	(pc) =	sbr.rel $0x88, $3  }
0x1: {  	(tag) =	ssettag $0x0;
	lr =	simm.s32 $0x1  }
0x2: {  	[smem:$0x3F93] =	sst lr;
	_ =	strace $0xD0000000  }
0x3: {  	_ = 	snop  }
0x4: {  	_ = 	snop  }
0x5: {  	_ = 	snop  }
0x6: {  	_ = 	snop  }
0x7: {  	_ = 	snop  }
__scs_overlays_trampoline_lowered:
0x8: {  	[smem:$0x3FA2] =	sst s0  }
0x9: {  	[smem:$0x3FA3] =	sst s1  }
0xa: {  	[smem:$0x3FA4] =	sst s2  }
0xb: {  	[smem:$0x3FA5] =	sst s3  }
0xc: {  	[smem:$0x3FA6] =	sst s4  }
0xd: {  	[smem:$0x3FA7] =	sst s5  }
0xe: {  	[smem:$0x3FA8] =	sst s6  }
0xf: {  	[smem:$0x3FA9] =	sst s7  }
0x10: {  	[smem:$0x3FAA] =	sst s8  }
0x11: {  	[smem:$0x3FAB] =	sst s9;
	s0 =	simm.s32 @!p0 $0x0  }
0x12: {  	s1 =	sld [smem:$0x3F91];
	s0 =	simm.s32 @p0 $0x1  }
0x13: {  	[smem:$0x3FAC] =	sst s0;
	s0 =	simm.s32 @!p1 $0x0  }
0x14: {  	s2 =	sld [smem:$0x3F90];
	s0 =	simm.s32 @p1 $0x1  }
0x15: {  	[smem:$0x3FAD] =	sst s0;
	s0 =	simm.s32 @!p2 $0x0  }
0x16: {  	s3 =	sld [smem:$0x3FDB];
	s0 =	simm.s32 @p2 $0x1  }
0x17: {  	s4 =	simm.s32 $0x1BF5;
	[smem:$0x3FAF] =	sst s0  }
0x18: {  	s0 =	sld [smem:$0x3F92];
	_ =	swait.ge [sflag:s4], $0x0  }
0x19: {  	s7 =	sld [smem:$0x3F93]  }
0x1a: {  	s8 =	sadd.s32 $0xFFFFE003, lr  }
0x1b: {  	s9 =	sadd.s32 $0xFFFFFEF7, lr;
	s5 =	simm.s32 $0xFFFFFFFF;
	p2 =	slt.u32 s8, $0xFFFFF086  }
0x1c: {  	p1 =	slt.u32 s9, $0xF7A;
	s5 =	simm.s32 @!p2 $0x0  }
0x1d: {  	s5 =	simm.s32 @p1 $0x1;
	p0 =	seq.s32 s7, s2  }
0x1e: {  	s7 =	smul.u32 @!p0 $0xF7A, s2;
	p2 =	seq.s32 @!p0 s5, $0x0  }
0x1f: {  	s9 =	smul.u32 $0xF7A, s1;
	s8 =	simm.s32 @!p0 $0x1BF5;
	p2 =	por !p2, p0  }
0x20: {  	[sflag:s8] =	ssyncset.s32 @!p0 $0xFFFFF086;
	s6 =	sadd.s32 @!p0 s3, s7;
	s7 =	simm.s32 @!p0 $0x108  }
0x21: {  	s3 =	sadd.s32 s3, s9;
	s6 =	sadd.s32 @!p0 $0x88, s6;
	s7 =	simm.s32 @p2 $0x1082  }
0x22: {  	[simem:s7], [sflag:s8] =	dma.local @!p0 [hbm:s6], $0xF7A  }
0x23: {  	s9 =	sor.u32 $0xD0000000, s2;
	s6 =	simm.s32 $0x108;
	_ =	swait.ge @!p0 [sflag:s8], $0x0  }
0x24: {  	s3 =	sadd.s32 $0x88, s3;
	s6 =	simm.s32 @!p1 $0x1082;
	[sflag:s4] =	ssyncset.s32 $0xFFFFF086  }
0x25: {  	[simem:s6], [sflag:s4] =	dma.local [hbm:s3], $0xF7A  }
0x26: {  	[smem:$0x3F93] =	sst s1;
	(tag) =	ssettag s2;
	_ =	strace s9  }
0x27: {  	s1 =	sld [smem:$0x3FA3]  }
0x28: {  	s2 =	sld [smem:$0x3FA4]  }
0x29: {  	s4 =	sld [smem:$0x3FA6]  }
0x2a: {  	p0 =	seq.s32 s5, $0x0;
	s5 =	sld [smem:$0x3FA7]  }
0x2b: {  	s6 =	sld [smem:$0x3FA8]  }
0x2c: {  	s7 =	sld [smem:$0x3FA9]  }
0x2d: {  	s3 =	simm.s32 $0x108;
	s8 =	sld [smem:$0x3FAA]  }
0x2e: {  	s3 =	simm.s32 @!p0 $0x1082;
	s9 =	sld [smem:$0x3FAB]  }
0x2f: {  	lr =	sadd.s32 s0, s3;
	s0 =	sld [smem:$0x3FA2]  }
0x30: {  	s3 =	sld [smem:$0x3FA5]  }
0x31: {  	[smem:$0x3FAE] =	sst s10  }
0x32: {  	s10 =	sld [smem:$0x3FAC];
	_ =	sdelay $0x3  }
0x33: {  	p0 =	seq.s32 s10, $0x1;
	s10 =	sld [smem:$0x3FAE];
	_ =	sdelay $0x3  }
0x34: {  	[smem:$0x3FAE] =	sst s10  }
0x35: {  	s10 =	sld [smem:$0x3FAD];
	_ =	sdelay $0x3  }
0x36: {  	p1 =	seq.s32 s10, $0x1;
	s10 =	sld [smem:$0x3FAE];
	_ =	sdelay $0x3  }
0x37: {  	[smem:$0x3FAE] =	sst s10  }
0x38: {  	s10 =	sld [smem:$0x3FAF]  }
0x39: {  	_ = 	snop;
	(pc) =	sbr.ind lr, $3  }
0x3a: {  	_ = 	snop  }
0x3b: {  	_ = 	snop  }
0x3c: {  	p2 =	seq.s32 s10, $0x1;
	s10 =	sld [smem:$0x3FAE]  }
0x3d: {  	_ =	shalt  }
0x3e: {  	_ =	shalt  }
0x3f: {  	_ =	shalt  }
0x40: {  	_ =	shalt  }
0x41: {  	_ =	shalt  }
0x42: {  	_ =	shalt  }
0x43: {  	_ =	shalt  }
0x44: {  	_ =	shalt  }
0x45: {  	_ =	shalt  }
0x46: {  	_ =	shalt  }
0x47: {  	_ =	shalt  }
0x48: {  	_ =	shalt  }
0x49: {  	_ =	shalt  }
0x4a: {  	_ =	shalt  }
0x4b: {  	_ =	shalt  }
0x4c: {  	_ =	shalt  }
0x4d: {  	_ =	shalt  }
0x4e: {  	_ =	shalt  }
0x4f: {  	_ =	shalt  }
0x50: {  	_ =	shalt  }
0x51: {  	_ =	shalt  }
0x52: {  	_ =	shalt  }
0x53: {  	_ =	shalt  }
0x54: {  	_ =	shalt  }
0x55: {  	_ =	shalt  }
0x56: {  	_ =	shalt  }
0x57: {  	_ =	shalt  }
0x58: {  	_ =	shalt  }
0x59: {  	_ =	shalt  }
0x5a: {  	_ =	shalt  }
0x5b: {  	_ =	shalt  }
0x5c: {  	_ =	shalt  }
0x5d: {  	_ =	shalt  }
0x5e: {  	_ =	shalt  }
0x5f: {  	_ =	shalt  }
0x60: {  	_ =	shalt  }
0x61: {  	_ =	shalt  }
0x62: {  	_ =	shalt  }
0x63: {  	_ =	shalt  }
0x64: {  	_ =	shalt  }
0x65: {  	_ =	shalt  }
0x66: {  	_ =	shalt  }
0x67: {  	_ =	shalt  }
0x68: {  	_ =	shalt  }
0x69: {  	_ =	shalt  }
0x6a: {  	_ =	shalt  }
0x6b: {  	_ =	shalt  }
0x6c: {  	_ =	shalt  }
0x6d: {  	_ =	shalt  }
0x6e: {  	_ =	shalt  }
0x6f: {  	_ =	shalt  }
0x70: {  	_ =	shalt  }
0x71: {  	_ =	shalt  }
0x72: {  	_ =	shalt  }
0x73: {  	_ =	shalt  }
0x74: {  	_ =	shalt  }
0x75: {  	_ =	shalt  }
0x76: {  	_ =	shalt  }
0x77: {  	_ =	shalt  }
0x78: {  	_ =	shalt  }
0x79: {  	_ =	shalt  }
0x7a: {  	_ =	shalt  }
0x7b: {  	_ =	shalt  }
0x7c: {  	_ =	shalt  }
0x7d: {  	_ =	shalt  }
0x7e: {  	_ =	shalt  }
0x7f: {  	_ =	shalt  }
0x80: {  	_ =	shalt  }
0x81: {  	_ =	shalt  }
0x82: {  	_ =	shalt  }
0x83: {  	_ =	shalt  }
0x84: {  	_ =	shalt  }
0x85: {  	_ =	shalt  }
0x86: {  	_ =	shalt  }
0x87: {  	_ =	shalt  }
.Lfunc_end0:
.L_simem_size_0:
called_computation_lowered:
.L_overlay_start_0:
0x88: {  	s2 =	sld [smem:$0x3FD9]  }
0x89: {  	s3 =	sld [smem:$0x3FFE];
	_ =	sdelay $0x1  }
0x8a: {  	s1 =	srdreg.scid  }
0x8b: {  	s0 =	sand.u32 $0x1, s1  }
0x8c: {  	s17 =	sshll.u32 s0, $0xA;
	s2 =	sadd.s32 s3, s2  }
0x8d: {  	s2 =	sadd.s32 s2, s17  }
0x8e: {  	[smem:$0x3FBA] =	sst s2  }
0x8f: {  	_ = 	snop  }
0x90: {  	s2 =	sld [smem:$0x3FC9]  }
0x91: {  	s18 =	sld [smem:$0x3FC6]  }
0x92: {  	s4 =	sld [smem:$0x3FC5]  }
0x93: {  	s5 =	sld [smem:$0x3FC4];
	(tm) =	ssettm $0x1  }
0x94: {  	s6 =	sld [smem:$0x3FFB];
	_ =	sdelay $0x3  }
0x95: {  	_ =	strace s6  }
0x96: {  	s6 =	sld [smem:$0x3FFC];
	_ =	sdelay $0x3  }
0x97: {  	_ =	strace s6  }
0x98: {  	s6 =	sld [smem:$0x3FFD];
	_ =	sdelay $0x3  }
0x99: {  	_ =	strace s6  }
0x9a: {  	_ =	strace $0x8FFFFFFF  }
0x9b: {  	s19 =	sld [smem:$0x3FDB];
	_ =	sdelay $0x1  }
0x9c: {  	s7 =	simm.s32 $_scs_section_size  }
0x9d: {  	s8 =	simm.s32 $_size__tile_overlayer_lowered;
	s9 =	simm.s32 $_tile_overlayer_lowered  }
0x9e: {  	s22 =	simm.s32 $0x1BFF;
	s21 =	sshll.u32 s9, $0x1;
	s6 =	sadd.s32 s7, s19  }
0x9f: {  	s10 =	simm.s32 $0x0;
	s20 =	sshll.u32 s8, $0x1;
	s8 =	sadd.s32 s21, s6  }
0xa0: {  	[timem:s10], [sflag:s22] =	dma.local [hbm:s8], s20  }
0xa1: {  	_ =	swait.ge [sflag:s22], s20  }
0xa2: {  	s7 =	ssub.s32 $0x0, s20;
	[sflag:s22] =	ssyncset.done $0x0  }
0xa3: {  	[sflag:s22] =	ssyncadd.s32 s7;
	_ =	sdelay $0x1  }
0xa4: {  	s23 =	simm.s32 $0x1B8B  }
0xa5: {  	_ =	swait.ge [sflag:s23], $0x1  }
0xa6: {  	[sflag:s23] =	ssyncset.done $0x0  }
0xa7: {  	s25 =	simm.s32 $0x1B8E;
	s24 =	sld [smem:$0x3FFE];
	[sflag:s23] =	ssyncadd.s32 $0xFFFFFFFF  }
0xa8: {  	s26 =	simm.s32 $execute0_lowered;
	[smem:$0x3FD2] =	sst s25  }
0xa9: {  	s8 =	sshll.u32 s26, $0x1;
	_ =	strace $0x80000046;
	[dreg:$0x1] =	wrdreg $0xFFFFFFFF  }
0xaa: {  	s28 =	simm.s32 $_size_execute0_lowered;
	s6 =	sadd.s32 s6, s8;
	[dreg:$0x0] =	wrdreg $0x0  }
0xab: {  	s8 =	sshll.u32 s28, $0x1;
	[dreg:$0x2] =	wrdreg s6  }
0xac: {  	[dreg:$0x3] =	wrdreg s8  }
0xad: {  	[dreg:$0x4] =	wrdreg $0xC0  }
0xae: {  	_ =	task [dreg:s10], $0x5FFFF  }
0xaf: {  	[dreg:$0x1] =	wrdreg $0xFFFFFFFF  }
0xb0: {  	[dreg:$0x0] =	wrdreg $0x60  }
0xb1: {  	[dreg:$0x2] =	wrdreg s2  }
0xb2: {  	[dreg:$0x3] =	wrdreg s18  }
0xb3: {  	[dreg:$0x4] =	wrdreg s4  }
0xb4: {  	[dreg:$0x5] =	wrdreg s5  }
0xb5: {  	[dreg:$0x6] =	wrdreg s24  }
0xb6: {  	[dreg:$0x7] =	wrdreg $0x9  }
0xb7: {  	_ =	task.clear_ibuf [dreg:s10], $0x8FFFF;
	_ =	strace $0x90000046  }
0xb8: {  	s29 =	simm.s32 $0x9;
	_ =	strace $0x80000048  }
0xb9: {  	_ =	swait.ge [sflag:s29], $0x1  }
0xba: {  	[sflag:s29] =	ssyncadd.s32 $0xFFFFFFFF  }
0xbb: {  	_ =	strace $0x90000048  }
0xbc: {  	_ =	sfence  }
0xbd: {  	s30 =	sld [smem:$0x0];
	_ =	sdelay $0x2  }
0xbe: {  	s31 =	sshll.u32 s1, $0xD;
	s1 =	sshrl.u32 s1, $0x2  }
0xbf: {  	s3 =	sand.u32 $0x4000, s31;
	s1 =	sadd.s32 s1, s30  }
0xc0: {  	s0 =	sor.u32 s3, s0;
	s1 =	sshll.u32 s1, $0x11  }
0xc1: {  	s0 =	sor.u32 s1, s0  }
0xc2: {  	s0 =	sadd.s32 $0x8F2B, s0  }
0xc3: {  	[sflag:s0] =	ssyncadd.remote.s32 $0x1  }
0xc4: {  	_ =	sfence.sel $0xFFFF  }
0xc5: {  	[dreg:$0x0] =	wrdreg $0xFFFFFFFF;
	(pc) =	sbr.abs _section_cstart, $3  }
0xc6: {  	[dreg:$0x1] =	wrdreg $0xFFFFFFFF  }
0xc7: {  	_ =	task.clear_ibuf [dreg:s10], $0x2FFFF;
	_ =	strace $0x9FFFFFFF  }
0xc8: {  	(tm) =	ssettm $0x7FFFFFFF  }
0xc9: {  	_ =	shalt  }
tec
execute0_lowered:
.L_overlay_start_1:
0x0: {  	(tag) =	ssettag $0x1  }
0x1: {  	s1 =	rddreg [dreg:$0x0]  }
0x2: {  	s4 =	rddreg [dreg:$0x1]  }
0x3: {  	s2 =	srdreg.scid;
	s5 =	rddreg [dreg:$0x2]  }
0x4: {  	s0 =	stileid.u32;
	s7 =	rddreg [dreg:$0x3]  }
0x5: {  	s8 =	rddreg [dreg:$0x4];
	s3 =	simm.s32 $0x0;
	s12 =	simm.s32 $0x12000  }
0x6: {  	s13 =	simm.s32 $0x1000;
	s14 =	simm.s32 $0x80;
	s15 =	simm.s32 $0x400  }
0x7: {  	s16 =	simm.s32 $0x0;
	s6 =	sand.u32 $0x1, s2;
	s30 =	sshll.u32 s0, $0x1  }
0x8: {  	[smem:$0x7FF] =	sst s3;
	s2 =	sor.u32 s6, s30;
	s6 =	ssub.s32 $0x2, s6  }
0x9: {  	s9 =	sshll.u32 s2, $0xC;
	s10 =	sshll.u32 s2, $0x7;
	s2 =	rddreg [dreg:$0x5]  }
0xa: {  	_ =	strace $0x80000047;
	s11 =	sshrl.u32 s6, $0x1;
	s10 =	sor.u32 s10, s9  }
0xb: {  	s31 =	ssub.s32 s6, s11;
	s4 =	sadd.s32 s4, s9;
	s10 =	sand.u32 $0x18380, s10  }
0xc: {  	s5 =	sadd.s32 s5, s9;
	s6 =	sadd.s32 s7, s9;
	s10 =	sshrl.u32 s10, $0x3  }
0xd: {  	s9 =	simm.s32 $0x1;
	s11 =	simm.s32 $0xA000;
	s8 =	sadd.s32 s10, s8  }
0xe: {  	v0 =	vimm.f32 $0.0e+00;
	s10 =	simm.s32 $0x2000;
	s7 =	sadd.s32 $0x1400, s8;
	s8 =	smax.u32 s31, $0x1  }
.LBB2_1:
0xf: {  	[tilespmem:s3], [sflag:$0x1] =	stream.linear.gather [hbm4b:s1+s3], $0x1000, $0x38;
	[tilespmem:$0x1A000] =	vst v63  }
0x10: {  	_ =	swait.ge [sflag:s9], $0x1000  }
0x11: {  	[sflag:s9] =	ssyncset.done $0x0  }
0x12: {  	[sflag:s9] =	ssyncadd.s32 $0xFFFFF000  }
0x13: {  	[tilespmem:s10], [sflag:$0x1] =	stream.linear.gather [hbm4b:s4+s3], $0x8000, $0x38;
	[tilespmem:$0x1A000] =	vst v63  }
0x14: {  	_ =	swait.ge [sflag:s9], $0x8000  }
0x15: {  	[sflag:s9] =	ssyncset.done $0x0  }
0x16: {  	[sflag:s9] =	ssyncadd.s32 $0xFFFF8000  }
0x17: {  	[tilespmem:s11], [sflag:$0x1] =	stream.linear.gather [hbm4b:s5+s3], $0x8000, $0x38;
	[tilespmem:$0x1A000] =	vst v63  }
0x18: {  	_ =	swait.ge [sflag:s9], $0x8000  }
0x19: {  	[sflag:s9] =	ssyncset.done $0x0  }
0x1a: {  	[sflag:s9] =	ssyncadd.s32 $0xFFFF8000  }
0x1b: {  	[tilespmem:s12], [sflag:$0x1] =	stream.linear.gather [hbm4b:s6+s3], $0x8000, $0x38;
	[tilespmem:$0x1A000] =	vst v63  }
0x1c: {  	_ =	swait.ge [sflag:s9], $0x8000  }
0x1d: {  	[sflag:s9] =	ssyncset.done $0x0  }
0x1e: {  	s17 =	simm.s32 $0x0;
	[sflag:s9] =	ssyncadd.s32 $0xFFFF8000  }
.LBB2_2:
0x1f: {  	p0 =	sne.s32 s17, $0x3FC0  }
.Ltmp0:
0x20: {  	_ = 	snop;
	(pc) =	sbr.rel @p0 .LBB2_2-.Ltmp0, $3  }
0x21: {  	_ =	sdelay $0x1  }
0x22: {  	s18 =	sshra.s32 s17, $0x2  }
0x23: {  	s17 =	sadd.s32 $0x40, s17;
	[tilespmem:s18+$0x1000] =	vst v0  }
0x24: {  	s18 =	simm.s32 $0x0;
	s17 =	simm.s32 $0x40  }
.LBB2_4:
0x25: {  	p0 =	sne.s32 s17, $0x1FFC0;
	v1 =	vld [tilespmem:s18+$0x2000];
	_ =	sdelay $0x6  }
0x26: {  	v2 =	vld [tilespmem:s18+$0xA000]  }
0x27: {  	v1 =	vld.idx.msk [tilespmem:v1+s3+$0x0], $0xffff  }
0x28: {  	v3 =	vld [tilespmem:s18+$0x12000];
	_ =	sdelay $0x2  }
.Ltmp1:
0x29: {  	(pc) =	sbr.rel @p0 .LBB2_4-.Ltmp1, $3  }
0x2a: {  	_ = 	snop  }
0x2b: {  	v1 =	vmul.f32 v1, v3;
	_ =	sdelay $0x1  }
0x2c: {  	s18 =	sshra.s32 s17, $0x2;
	s17 =	sadd.s32 $0x40, s17;
	[tilespmem:v2+s13+$0x0] =	vst.idx.add.f32.msk $0xffff, v1  }
0x2d: {  	v1 =	vld [tilespmem:s18+$0x2000];
	_ =	sdelay $0x5  }
0x2e: {  	v2 =	vld [tilespmem:s18+$0xA000]  }
0x2f: {  	v3 =	vld [tilespmem:s18+$0x12000]  }
0x30: {  	v1 =	vld.idx.msk [tilespmem:v1+s3+$0x0], $0xffff;
	_ =	sdelay $0x4  }
0x31: {  	s16 =	sadd.s32 $0x1, s16;
	v1 =	vmul.f32 v1, v3  }
0x32: {  	p0 =	sne.s32 s16, s8  }
.Ltmp2:
0x33: {  	[tilespmem:v2+s13+$0x0] =	vst.idx.add.f32.msk $0xffff, v1;
	(pc) =	sbr.rel @p0 .LBB2_1-.Ltmp2, $4  }
0x34: {  	[hbm4b:s7+s14] =	stream.strided.scatter [tilespmem:s13], [sflag:$0x1], $0x1000, s15, s14, $0x38;
	[tilespmem:$0x1A000] =	vst v63  }
0x35: {  	_ =	swait.ge [sflag:s9], $0x1000  }
0x36: {  	[sflag:s9] =	ssyncset.done $0x0  }
0x37: {  	[sflag:s9] =	ssyncadd.s32 $0xFFFFF000  }
0x38: {  	_ =	sfence.sel $0x180000  }
0x39: {  	[bflag:$0x0] =	sbarrier.arrive $0xFFFF  }
0x3a: {  	p0 =	sne.s32 s0, $0x0;
	_ =	strace $0x90000047  }
0x3b: {  	s0 =	sadd.s32 @!p0 $0x100000, s2;
	[bflag:$0x2] =	sbarrier.arrive $0xFFFF  }
0x3c: {  	[sflag:s0] =	ssyncadd.tile.s32 @!p0 $0x1;
	_ =	shalt  }
.Lfunc_end2:
_tile_overlayer_lowered:
.L_overlay_start_2:
0x3d: {  	(tag) =	ssettag $0x2  }
0x3e: {  	s0 =	rddreg [dreg:$0x0];
	s2 =	stileid.u32  }
0x3f: {  	s1 =	rddreg [dreg:$0x1];
	p0 =	sne.s32 s2, $0x0  }
0x40: {  	s3 =	rddreg [dreg:$0x2];
	[bflag:$0x3] =	sbarrier.arrive $0xFFFF;
	s2 =	simm.s32 @!p0 $0x1C01  }
0x41: {  	[timem:s3], [sflag:s2] =	dma.local @!p0 [hbm:s0], s1  }
0x42: {  	s0 =	simm.s32 @!p0 $0x1  }
0x43: {  	_ =	swait.ge @!p0 [sflag:s0], s1  }
0x44: {  	s1 =	ssub.s32 @!p0 $0x0, s1;
	[sflag:s0] =	ssyncset.done @!p0 $0x0  }
0x45: {  	[sflag:s0] =	ssyncadd.s32 @!p0 s1  }
0x46: {  	[bflag:$0x3] =	sbarrier.arrive $0xFFFF  }
0x47: {  	_ =	shalt  }

</sc_bundles>
